<compile_context>
chip_gen: v7x
topology: tpu7x:2x2x1
jax: 0.10.2.dev20260603
libtpu: 0.0.44.dev20260713+nightly
codegen_flags: <defaults>
</compile_context>

<pallas_src>
import jax
import jax.numpy as jnp
import numpy as np
from jax import lax
from jax.experimental import pallas as pl
from jax.experimental.pallas import tpu as pltpu
from jax.experimental.pallas import tpu_sc as plsc

_BATCH = 16384
_NSUB = 32
_K = 8192
_NC = 2
_NS = 16
_ROWS = _BATCH // _NS
_CHUNK = 128
_NCHUNK = (_ROWS * 16) // _CHUNK
_TBL = _BATCH + 8


def _sc_hist(codes_hbm, table_hbm, out_hbm, data_v, idx_v, ones_v, zc_v,
             table_v, sums_v, hist_sh, stage_sem, tbl_sem, sem):
    c = lax.axis_index("c")
    s = lax.axis_index("s")
    stage = pltpu.async_copy(
        codes_hbm.at[pl.ds(s * _ROWS, _ROWS), pl.ds(c * 16, 16)], data_v,
        stage_sem)
    tstage = pltpu.async_copy(table_hbm, table_v, tbl_sem)

    def fill_ones(i, _):
        ones_v[pl.ds(i * 16, 16)] = jnp.full((16,), 1.0, jnp.float32)
        return 0
    lax.fori_loop(0, _CHUNK // 16, fill_ones, 0)

    def fill_zeros(i, _):
        zc_v[pl.ds(i * 16, 16)] = jnp.zeros((16,), jnp.float32)
        return 0
    lax.fori_loop(0, _K // 16, fill_zeros, 0)

    pltpu.sync_copy(zc_v, hist_sh.at[pl.ds(s * _K, _K)])
    stage.wait()
    plsc.subcore_barrier()

    lane_off = lax.iota(jnp.int32, 16) * _K

    def compute_and_fire(j):
        def vec(i, _):
            v = data_v[j * (_CHUNK // 16) + i]
            idx_v[j, pl.ds(i * 16, 16)] = v + lane_off
            return 0
        lax.fori_loop(0, _CHUNK // 16, vec, 0, unroll=True)
        pltpu.async_copy(ones_v, hist_sh.at[idx_v.at[j]], sem, add=True)

    def fire(j, _):
        compute_and_fire(j)
        return 0
    lax.fori_loop(0, _NCHUNK, fire, 0)

    def drain(j, _):
        pltpu.make_async_copy(ones_v, hist_sh.at[idx_v.at[j]], sem).wait()
        return 0
    lax.fori_loop(0, _NCHUNK, drain, 0, unroll=4)

    plsc.subcore_barrier()

    pltpu.sync_copy(hist_sh.at[pl.ds(s * _K, _K)], zc_v)
    tstage.wait()

    def gather(k, acc):
        cv = zc_v[pl.ds(k * 16, 16)]
        ci = cv.astype(jnp.int32)
        return acc + plsc.load_gather(table_v, [ci])
    acc = lax.fori_loop(0, _K // 16, gather,
                        jnp.zeros((16,), jnp.float32), unroll=4)
    sums_v[...] = jnp.broadcast_to(jnp.sum(acc), (16,))
    pltpu.sync_copy(sums_v, out_hbm.at[pl.ds((c * 16 + s) * 16, 16)])


_hist_call = pl.kernel(
    _sc_hist,
    out_type=jax.ShapeDtypeStruct((_NSUB * 16,), jnp.float32),
    mesh=plsc.VectorSubcoreMesh(core_axis_name="c", subcore_axis_name="s",
                                num_cores=_NC, num_subcores=_NS),
    scratch_types=[
        pltpu.VMEM((_ROWS, 16), jnp.int32),
        pltpu.VMEM((_NCHUNK, _CHUNK), jnp.int32),
        pltpu.VMEM((_CHUNK,), jnp.float32),
        pltpu.VMEM((_K,), jnp.float32),
        pltpu.VMEM((_TBL,), jnp.float32),
        pltpu.VMEM((16,), jnp.float32),
        pltpu.VMEM_SHARED((_NS * _K,), jnp.float32),
        pltpu.SemaphoreType.DMA,
        pltpu.SemaphoreType.DMA,
        pltpu.SemaphoreType.DMA,
    ],
    compiler_params=pltpu.CompilerParams(use_tc_tiling_on_sc=False,
                                         needs_layout_passes=False),
)


def _f_table():
    n = np.arange(_TBL, dtype=np.float64)
    q = n / _BATCH + 1e-8
    z = 1.0 + _K * 1e-8
    p = q / z
    return jnp.asarray(p * np.log(p), dtype=jnp.float32)


def _tc_loss(sums_ref, out_ref):
    x = sums_ref[...]
    target = jnp.log(jnp.float32(_K))
    d = target + x
    out_ref[0, 0] = jnp.sum(d * d) * (1.0 / (_NSUB * 16))


def kernel(codes):
    sums = _hist_call(codes, _f_table())
    loss = pl.pallas_call(
        _tc_loss,
        out_shape=jax.ShapeDtypeStruct((1, 1), jnp.float32),
        out_specs=pl.BlockSpec(memory_space=pltpu.SMEM),
    )(sums)
    return loss[0, 0]

# --- scband reference (transcript-rebuilt; emitter-appended) ---
"""Pipeline reference for scband-diversity-loss-57415122813091 (READ-ONLY COPY).

The authoritative reference and input builder live on the scoring server;
editing this copy changes nothing except your own understanding.
"""

import jax, jax.numpy as jnp
import numpy as np

BATCH = 16384
N_SUBVECTORS = 32
CODEBOOK_SIZE = 8192


def setup_inputs(seed: int = 0) -> dict:
    key = jax.random.key(seed)
    codes = jax.random.randint(key, (BATCH, N_SUBVECTORS), 0, CODEBOOK_SIZE, dtype=jnp.int32)
    return {"codes": codes}


def reference(codes):
    batch_size = codes.shape[0]
    n_subvectors = codes.shape[1]
    target_entropy = jnp.log(jnp.asarray(float(CODEBOOK_SIZE), dtype=jnp.float32))
    diversity_loss = jnp.asarray(0.0, dtype=jnp.float32)
    eps = 1e-08
    for i in range(n_subvectors):
        code_counts = jnp.bincount(codes[:, i], minlength=CODEBOOK_SIZE, length=CODEBOOK_SIZE).astype(jnp.float32)
        probs = code_counts / batch_size
        probs = probs + eps
        probs = probs / probs.sum()
        entropy = -jnp.sum(probs * jnp.log(probs))
        diversity_loss = diversity_loss + (target_entropy - entropy) ** 2
    return diversity_loss / n_subvectors

if __name__ == "__main__":
    import jax
    _d = setup_inputs()
    print(jax.jit(kernel)(*tuple(_d.values())))

</pallas_src>

<mosaic_0001>
#map = affine_map<(d0, d1) -> (0, 0)>
#map1 = affine_map<(d0, d1) -> (0)>
module attributes {stable_mosaic.version = 14 : i64} {
  func.func @_sc_hist(%arg0: i32, %arg1: i32, %arg2: memref<16384x32xi32, #tpu.memory_space<hbm>>, %arg3: memref<16392xf32, #tpu.memory_space<hbm>>, %arg4: memref<512xf32, #tpu.memory_space<hbm>>, %arg5: memref<1024x16xi32, #tpu.memory_space<vmem>>, %arg6: memref<128x128xi32, #tpu.memory_space<vmem>>, %arg7: memref<128xf32, #tpu.memory_space<vmem>>, %arg8: memref<8192xf32, #tpu.memory_space<vmem>>, %arg9: memref<16392xf32, #tpu.memory_space<vmem>>, %arg10: memref<16xf32, #tpu.memory_space<vmem>>, %arg11: memref<131072xf32, #tpu.memory_space<vmem_shared>>, %arg12: memref<!tpu.dma_semaphore, #tpu.memory_space<semaphore_mem>>, %arg13: memref<!tpu.dma_semaphore, #tpu.memory_space<semaphore_mem>>, %arg14: memref<!tpu.dma_semaphore, #tpu.memory_space<semaphore_mem>>) attributes {dimension_semantics = [#tpu.dimension_semantics<core_parallel>, #tpu.dimension_semantics<subcore_parallel>], iteration_bounds = array<i64: 2, 16>, scalar_prefetch = 0 : i64, scratch_operands = 10 : i64, tpu.core_type = #tpu.core_type<sc_vector_subcore>, window_params = [{transform_indices = #map}, {transform_indices = #map1}, {transform_indices = #map1}]} {
    %mul3A = arith.constant 1024 : i32
    %mul3A_0 = arith.muli %arg1, %mul3A : i32
    %mul3A_1 = arith.constant 16 : i32
    %mul3A_2 = arith.muli %arg0, %mul3A_1 : i32
    %dma_start3A = tpu.memref_slice %arg2[%mul3A_0, %mul3A_2] : memref<16384x32xi32, #tpu.memory_space<hbm>> -> memref<1024x16xi32, #tpu.memory_space<hbm>>
    %dma_start3A_3 = tpu.memref_slice %arg2[%mul3A_0, %mul3A_2] : memref<16384x32xi32, #tpu.memory_space<hbm>> -> memref<1024x16xi32, #tpu.memory_space<hbm>>
    tpu.enqueue_dma source(%dma_start3A_3 : memref<1024x16xi32, #tpu.memory_space<hbm>>) target(%arg5 : memref<1024x16xi32, #tpu.memory_space<vmem>>) target_semaphore(%arg12 : memref<!tpu.dma_semaphore, #tpu.memory_space<semaphore_mem>>)
    tpu.enqueue_dma source(%arg3 : memref<16392xf32, #tpu.memory_space<hbm>>) target(%arg9 : memref<16392xf32, #tpu.memory_space<vmem>>) target_semaphore(%arg13 : memref<!tpu.dma_semaphore, #tpu.memory_space<semaphore_mem>>)
    %scan3A = arith.constant 0 : i32
    %scan3A_4 = arith.constant 0 : i32
    %scan3A_5 = arith.constant 8 : i32
    %scan3A_6 = arith.addi %scan3A_4, %scan3A_5 : i32
    %scan3A_7 = arith.constant 1 : i32
    %scan3A_8 = scf.for %scan3A_56 = %scan3A_4 to %scan3A_6 step %scan3A_7 iter_args(%scan3A_57 = %scan3A) -> (i32)  : i32 {
      %broadcast_in_dim3A_58 = arith.constant 1.000000e+00 : f32
      %broadcast_in_dim3A_59 = vector.broadcast %broadcast_in_dim3A_58 : f32 to vector<16xf32>
      %mul3A_60 = arith.constant 16 : i32
      %mul3A_61 = arith.muli %scan3A_56, %mul3A_60 : i32
      %swap3A_62 = arith.index_cast %mul3A_61 : i32 to index
      %swap3A_63 = tpu.vector_load %arg7[%swap3A_62] {strides = array<i32>} : memref<128xf32, #tpu.memory_space<vmem>>, vector<16xf32>,
      tpu.vector_store %arg7[%swap3A_62], %broadcast_in_dim3A_59 {strides = array<i32>} : memref<128xf32, #tpu.memory_space<vmem>>, vector<16xf32>,
      %scan3A_64 = arith.constant 0 : i32
      scf.yield %scan3A_64 : i32
    }
    %scan3A_9 = arith.constant 8 : i32
    %scan3A_10 = arith.constant 0 : i32
    %scan3A_11 = arith.constant 0 : i32
    %scan3A_12 = arith.constant 512 : i32
    %scan3A_13 = arith.addi %scan3A_11, %scan3A_12 : i32
    %scan3A_14 = arith.constant 1 : i32
    %scan3A_15 = scf.for %scan3A_56 = %scan3A_11 to %scan3A_13 step %scan3A_14 iter_args(%scan3A_57 = %scan3A_10) -> (i32)  : i32 {
      %broadcast_in_dim3A_58 = arith.constant 0.000000e+00 : f32
      %broadcast_in_dim3A_59 = vector.broadcast %broadcast_in_dim3A_58 : f32 to vector<16xf32>
      %mul3A_60 = arith.constant 16 : i32
      %mul3A_61 = arith.muli %scan3A_56, %mul3A_60 : i32
      %swap3A_62 = arith.index_cast %mul3A_61 : i32 to index
      %swap3A_63 = tpu.vector_load %arg8[%swap3A_62] {strides = array<i32>} : memref<8192xf32, #tpu.memory_space<vmem>>, vector<16xf32>,
      tpu.vector_store %arg8[%swap3A_62], %broadcast_in_dim3A_59 {strides = array<i32>} : memref<8192xf32, #tpu.memory_space<vmem>>, vector<16xf32>,
      %scan3A_64 = arith.constant 0 : i32
      scf.yield %scan3A_64 : i32
    }
    %scan3A_16 = arith.constant 512 : i32
    %mul3A_17 = arith.constant 8192 : i32
    %mul3A_18 = arith.muli %arg1, %mul3A_17 : i32
    "tpu.region"() ({
      %run_scoped3A = tpu.sem_alloc : memref<!tpu.dma_semaphore, #tpu.memory_space<semaphore_mem>>
      %dma_start3A_56 = tpu.memref_slice %arg11[%mul3A_18] : memref<131072xf32, #tpu.memory_space<vmem_shared>> -> memref<8192xf32, #tpu.memory_space<vmem_shared>>
      %dma_start3A_57 = tpu.memref_slice %arg11[%mul3A_18] : memref<131072xf32, #tpu.memory_space<vmem_shared>> -> memref<8192xf32, #tpu.memory_space<vmem_shared>>
      tpu.enqueue_dma source(%arg8 : memref<8192xf32, #tpu.memory_space<vmem>>) target(%dma_start3A_57 : memref<8192xf32, #tpu.memory_space<vmem_shared>>) target_semaphore(%run_scoped3A : memref<!tpu.dma_semaphore, #tpu.memory_space<semaphore_mem>>)
      %dma_wait3A_58 = tpu.memref_slice %arg11[%mul3A_18] : memref<131072xf32, #tpu.memory_space<vmem_shared>> -> memref<8192xf32, #tpu.memory_space<vmem_shared>>
      %dma_wait3A_59 = tpu.memref_slice %arg11[%mul3A_18] : memref<131072xf32, #tpu.memory_space<vmem_shared>> -> memref<8192xf32, #tpu.memory_space<vmem_shared>>
      tpu.wait_dma2 semaphore(%run_scoped3A : memref<!tpu.dma_semaphore, #tpu.memory_space<semaphore_mem>>) src(%arg8 : memref<8192xf32, #tpu.memory_space<vmem>>) dst(%dma_wait3A_59 : memref<8192xf32, #tpu.memory_space<vmem_shared>>)
      tpu.yield
    }) : () -> ()
    %dma_wait3A = tpu.memref_slice %arg2[%mul3A_0, %mul3A_2] : memref<16384x32xi32, #tpu.memory_space<hbm>> -> memref<1024x16xi32, #tpu.memory_space<hbm>>
    %dma_wait3A_19 = tpu.memref_slice %arg2[%mul3A_0, %mul3A_2] : memref<16384x32xi32, #tpu.memory_space<hbm>> -> memref<1024x16xi32, #tpu.memory_space<hbm>>
    tpu.wait_dma2 semaphore(%arg12 : memref<!tpu.dma_semaphore, #tpu.memory_space<semaphore_mem>>) src(%dma_wait3A_19 : memref<1024x16xi32, #tpu.memory_space<hbm>>) dst(%arg5 : memref<1024x16xi32, #tpu.memory_space<vmem>>)
    %barrier3A = arith.constant 0 : index
    tpu.barrier barrier_id(%barrier3A)
    %iota3A = tpu.iota {dimensions = array<i32: 0>} : vector<16xi32>
    %mul3A_20 = arith.constant 8192 : i32
    %mul3A_21 = vector.broadcast %mul3A_20 : i32 to vector<16xi32>
    %mul3A_22 = arith.muli %iota3A, %mul3A_21 : vector<16xi32>
    %scan3A_23 = arith.constant 0 : i32
    %scan3A_24 = arith.constant 0 : i32
    %scan3A_25 = arith.constant 128 : i32
    %scan3A_26 = arith.addi %scan3A_24, %scan3A_25 : i32
    %scan3A_27 = arith.constant 1 : i32
    %scan3A_28 = scf.for %scan3A_56 = %scan3A_24 to %scan3A_26 step %scan3A_27 iter_args(%scan3A_57 = %scan3A_23) -> (i32)  : i32 {
      %scan3A_58 = arith.constant 0 : i32
      %scan3A_59 = arith.constant 0 : i32
      %mul3A_60 = arith.constant 8 : i32
      %mul3A_61 = arith.muli %scan3A_56, %mul3A_60 : i32
      %add3A_62 = arith.addi %mul3A_61, %scan3A_59 : i32
      %get3A = arith.index_cast %add3A_62 : i32 to index
      %get3A_63 = arith.constant 0 : index
      %get3A_64 = tpu.vector_load %arg5[%get3A, %get3A_63] {strides = array<i32>} : memref<1024x16xi32, #tpu.memory_space<vmem>>, vector<16xi32>,
      %add3A_65 = arith.addi %get3A_64, %mul3A_22 : vector<16xi32>
      %mul3A_66 = arith.constant 16 : i32
      %mul3A_67 = arith.muli %scan3A_59, %mul3A_66 : i32
      %swap3A_68 = arith.index_cast %scan3A_56 : i32 to index
      %swap3A_69 = arith.index_cast %mul3A_67 : i32 to index
      %swap3A_70 = tpu.vector_load %arg6[%swap3A_68, %swap3A_69] {strides = array<i32>} : memref<128x128xi32, #tpu.memory_space<vmem>>, vector<16xi32>,
      tpu.vector_store %arg6[%swap3A_68, %swap3A_69], %add3A_65 {strides = array<i32>} : memref<128x128xi32, #tpu.memory_space<vmem>>, vector<16xi32>,
      %scan3A_71 = arith.constant 0 : i32
      %scan3A_72 = arith.constant 1 : i32
      %mul3A_73 = arith.constant 8 : i32
      %mul3A_74 = arith.muli %scan3A_56, %mul3A_73 : i32
      %add3A_75 = arith.addi %mul3A_74, %scan3A_72 : i32
      %get3A_76 = arith.index_cast %add3A_75 : i32 to index
      %get3A_77 = arith.constant 0 : index
      %get3A_78 = tpu.vector_load %arg5[%get3A_76, %get3A_77] {strides = array<i32>} : memref<1024x16xi32, #tpu.memory_space<vmem>>, vector<16xi32>,
      %add3A_79 = arith.addi %get3A_78, %mul3A_22 : vector<16xi32>
      %mul3A_80 = arith.constant 16 : i32
      %mul3A_81 = arith.muli %scan3A_72, %mul3A_80 : i32
      %swap3A_82 = arith.index_cast %scan3A_56 : i32 to index
      %swap3A_83 = arith.index_cast %mul3A_81 : i32 to index
      %swap3A_84 = tpu.vector_load %arg6[%swap3A_82, %swap3A_83] {strides = array<i32>} : memref<128x128xi32, #tpu.memory_space<vmem>>, vector<16xi32>,
      tpu.vector_store %arg6[%swap3A_82, %swap3A_83], %add3A_79 {strides = array<i32>} : memref<128x128xi32, #tpu.memory_space<vmem>>, vector<16xi32>,
      %scan3A_85 = arith.constant 0 : i32
      %scan3A_86 = arith.constant 2 : i32
      %mul3A_87 = arith.constant 8 : i32
      %mul3A_88 = arith.muli %scan3A_56, %mul3A_87 : i32
      %add3A_89 = arith.addi %mul3A_88, %scan3A_86 : i32
      %get3A_90 = arith.index_cast %add3A_89 : i32 to index
      %get3A_91 = arith.constant 0 : index
      %get3A_92 = tpu.vector_load %arg5[%get3A_90, %get3A_91] {strides = array<i32>} : memref<1024x16xi32, #tpu.memory_space<vmem>>, vector<16xi32>,
      %add3A_93 = arith.addi %get3A_92, %mul3A_22 : vector<16xi32>
      %mul3A_94 = arith.constant 16 : i32
      %mul3A_95 = arith.muli %scan3A_86, %mul3A_94 : i32
      %swap3A_96 = arith.index_cast %scan3A_56 : i32 to index
      %swap3A_97 = arith.index_cast %mul3A_95 : i32 to index
      %swap3A_98 = tpu.vector_load %arg6[%swap3A_96, %swap3A_97] {strides = array<i32>} : memref<128x128xi32, #tpu.memory_space<vmem>>, vector<16xi32>,
      tpu.vector_store %arg6[%swap3A_96, %swap3A_97], %add3A_93 {strides = array<i32>} : memref<128x128xi32, #tpu.memory_space<vmem>>, vector<16xi32>,
      %scan3A_99 = arith.constant 0 : i32
      %scan3A_100 = arith.constant 3 : i32
      %mul3A_101 = arith.constant 8 : i32
      %mul3A_102 = arith.muli %scan3A_56, %mul3A_101 : i32
      %add3A_103 = arith.addi %mul3A_102, %scan3A_100 : i32
      %get3A_104 = arith.index_cast %add3A_103 : i32 to index
      %get3A_105 = arith.constant 0 : index
      %get3A_106 = tpu.vector_load %arg5[%get3A_104, %get3A_105] {strides = array<i32>} : memref<1024x16xi32, #tpu.memory_space<vmem>>, vector<16xi32>,
      %add3A_107 = arith.addi %get3A_106, %mul3A_22 : vector<16xi32>
      %mul3A_108 = arith.constant 16 : i32
      %mul3A_109 = arith.muli %scan3A_100, %mul3A_108 : i32
      %swap3A_110 = arith.index_cast %scan3A_56 : i32 to index
      %swap3A_111 = arith.index_cast %mul3A_109 : i32 to index
      %swap3A_112 = tpu.vector_load %arg6[%swap3A_110, %swap3A_111] {strides = array<i32>} : memref<128x128xi32, #tpu.memory_space<vmem>>, vector<16xi32>,
      tpu.vector_store %arg6[%swap3A_110, %swap3A_111], %add3A_107 {strides = array<i32>} : memref<128x128xi32, #tpu.memory_space<vmem>>, vector<16xi32>,
      %scan3A_113 = arith.constant 0 : i32
      %scan3A_114 = arith.constant 4 : i32
      %mul3A_115 = arith.constant 8 : i32
      %mul3A_116 = arith.muli %scan3A_56, %mul3A_115 : i32
      %add3A_117 = arith.addi %mul3A_116, %scan3A_114 : i32
      %get3A_118 = arith.index_cast %add3A_117 : i32 to index
      %get3A_119 = arith.constant 0 : index
      %get3A_120 = tpu.vector_load %arg5[%get3A_118, %get3A_119] {strides = array<i32>} : memref<1024x16xi32, #tpu.memory_space<vmem>>, vector<16xi32>,
      %add3A_121 = arith.addi %get3A_120, %mul3A_22 : vector<16xi32>
      %mul3A_122 = arith.constant 16 : i32
      %mul3A_123 = arith.muli %scan3A_114, %mul3A_122 : i32
      %swap3A_124 = arith.index_cast %scan3A_56 : i32 to index
      %swap3A_125 = arith.index_cast %mul3A_123 : i32 to index
      %swap3A_126 = tpu.vector_load %arg6[%swap3A_124, %swap3A_125] {strides = array<i32>} : memref<128x128xi32, #tpu.memory_space<vmem>>, vector<16xi32>,
      tpu.vector_store %arg6[%swap3A_124, %swap3A_125], %add3A_121 {strides = array<i32>} : memref<128x128xi32, #tpu.memory_space<vmem>>, vector<16xi32>,
      %scan3A_127 = arith.constant 0 : i32
      %scan3A_128 = arith.constant 5 : i32
      %mul3A_129 = arith.constant 8 : i32
      %mul3A_130 = arith.muli %scan3A_56, %mul3A_129 : i32
      %add3A_131 = arith.addi %mul3A_130, %scan3A_128 : i32
      %get3A_132 = arith.index_cast %add3A_131 : i32 to index
      %get3A_133 = arith.constant 0 : index
      %get3A_134 = tpu.vector_load %arg5[%get3A_132, %get3A_133] {strides = array<i32>} : memref<1024x16xi32, #tpu.memory_space<vmem>>, vector<16xi32>,
      %add3A_135 = arith.addi %get3A_134, %mul3A_22 : vector<16xi32>
      %mul3A_136 = arith.constant 16 : i32
      %mul3A_137 = arith.muli %scan3A_128, %mul3A_136 : i32
      %swap3A_138 = arith.index_cast %scan3A_56 : i32 to index
      %swap3A_139 = arith.index_cast %mul3A_137 : i32 to index
      %swap3A_140 = tpu.vector_load %arg6[%swap3A_138, %swap3A_139] {strides = array<i32>} : memref<128x128xi32, #tpu.memory_space<vmem>>, vector<16xi32>,
      tpu.vector_store %arg6[%swap3A_138, %swap3A_139], %add3A_135 {strides = array<i32>} : memref<128x128xi32, #tpu.memory_space<vmem>>, vector<16xi32>,
      %scan3A_141 = arith.constant 0 : i32
      %scan3A_142 = arith.constant 6 : i32
      %mul3A_143 = arith.constant 8 : i32
      %mul3A_144 = arith.muli %scan3A_56, %mul3A_143 : i32
      %add3A_145 = arith.addi %mul3A_144, %scan3A_142 : i32
      %get3A_146 = arith.index_cast %add3A_145 : i32 to index
      %get3A_147 = arith.constant 0 : index
      %get3A_148 = tpu.vector_load %arg5[%get3A_146, %get3A_147] {strides = array<i32>} : memref<1024x16xi32, #tpu.memory_space<vmem>>, vector<16xi32>,
      %add3A_149 = arith.addi %get3A_148, %mul3A_22 : vector<16xi32>
      %mul3A_150 = arith.constant 16 : i32
      %mul3A_151 = arith.muli %scan3A_142, %mul3A_150 : i32
      %swap3A_152 = arith.index_cast %scan3A_56 : i32 to index
      %swap3A_153 = arith.index_cast %mul3A_151 : i32 to index
      %swap3A_154 = tpu.vector_load %arg6[%swap3A_152, %swap3A_153] {strides = array<i32>} : memref<128x128xi32, #tpu.memory_space<vmem>>, vector<16xi32>,
      tpu.vector_store %arg6[%swap3A_152, %swap3A_153], %add3A_149 {strides = array<i32>} : memref<128x128xi32, #tpu.memory_space<vmem>>, vector<16xi32>,
      %scan3A_155 = arith.constant 0 : i32
      %scan3A_156 = arith.constant 7 : i32
      %mul3A_157 = arith.constant 8 : i32
      %mul3A_158 = arith.muli %scan3A_56, %mul3A_157 : i32
      %add3A_159 = arith.addi %mul3A_158, %scan3A_156 : i32
      %get3A_160 = arith.index_cast %add3A_159 : i32 to index
      %get3A_161 = arith.constant 0 : index
      %get3A_162 = tpu.vector_load %arg5[%get3A_160, %get3A_161] {strides = array<i32>} : memref<1024x16xi32, #tpu.memory_space<vmem>>, vector<16xi32>,
      %add3A_163 = arith.addi %get3A_162, %mul3A_22 : vector<16xi32>
      %mul3A_164 = arith.constant 16 : i32
      %mul3A_165 = arith.muli %scan3A_156, %mul3A_164 : i32
      %swap3A_166 = arith.index_cast %scan3A_56 : i32 to index
      %swap3A_167 = arith.index_cast %mul3A_165 : i32 to index
      %swap3A_168 = tpu.vector_load %arg6[%swap3A_166, %swap3A_167] {strides = array<i32>} : memref<128x128xi32, #tpu.memory_space<vmem>>, vector<16xi32>,
      tpu.vector_store %arg6[%swap3A_166, %swap3A_167], %add3A_163 {strides = array<i32>} : memref<128x128xi32, #tpu.memory_space<vmem>>, vector<16xi32>,
      %scan3A_169 = arith.constant 0 : i32
      %scan3A_170 = arith.constant 8 : i32
      %dma_start3A_171 = arith.constant 0 : i32
      %dma_start3A_172 = tpu.memref_slice %arg6[%scan3A_56, %dma_start3A_171] : memref<128x128xi32, #tpu.memory_space<vmem>> -> memref<1x128xi32, #tpu.memory_space<vmem>>
      %dma_start3A_173 = tpu.memref_squeeze %dma_start3A_172 : memref<1x128xi32, #tpu.memory_space<vmem>> -> memref<128xi32, #tpu.memory_space<vmem>>
      %dma_start3A_174 = arith.constant 0 : i32
      %dma_start3A_175 = tpu.memref_slice %arg11[%dma_start3A_174] : memref<131072xf32, #tpu.memory_space<vmem_shared>> -> memref<131072xf32, #tpu.memory_space<vmem_shared>>
      tpu.enqueue_indirect_dma source(%arg7 : memref<128xf32, #tpu.memory_space<vmem>>) target(%dma_start3A_175 : memref<131072xf32, #tpu.memory_space<vmem_shared>>) offsets(%dma_start3A_173 : memref<128xi32, #tpu.memory_space<vmem>>) semaphore(%arg14 : memref<!tpu.dma_semaphore, #tpu.memory_space<semaphore_mem>>) {add = true}
      %scan3A_176 = arith.constant 0 : i32
      scf.yield %scan3A_176 : i32
    }
    %scan3A_29 = arith.constant 128 : i32
    %scan3A_30 = arith.constant 0 : i32
    %scan3A_31 = arith.constant 0 : i32
    %scan3A_32 = arith.constant 128 : i32
    %scan3A_33 = arith.addi %scan3A_31, %scan3A_32 : i32
    %scan3A_34 = arith.constant 4 : i32
    %scan3A_35 = scf.for %scan3A_56 = %scan3A_31 to %scan3A_33 step %scan3A_34 iter_args(%scan3A_57 = %scan3A_30) -> (i32)  : i32 {
      %dma_wait3A_58 = arith.constant 0 : i32
      %dma_wait3A_59 = tpu.memref_slice %arg6[%scan3A_56, %dma_wait3A_58] : memref<128x128xi32, #tpu.memory_space<vmem>> -> memref<1x128xi32, #tpu.memory_space<vmem>>
      %dma_wait3A_60 = tpu.memref_squeeze %dma_wait3A_59 : memref<1x128xi32, #tpu.memory_space<vmem>> -> memref<128xi32, #tpu.memory_space<vmem>>
      %dma_wait3A_61 = arith.constant 0 : i32
      %dma_wait3A_62 = tpu.memref_slice %arg11[%dma_wait3A_61] : memref<131072xf32, #tpu.memory_space<vmem_shared>> -> memref<131072xf32, #tpu.memory_space<vmem_shared>>
      tpu.wait_indirect_dma semaphore(%arg14 : memref<!tpu.dma_semaphore, #tpu.memory_space<semaphore_mem>>) src(%arg7 : memref<128xf32, #tpu.memory_space<vmem>>) dst(%dma_wait3A_62 : memref<131072xf32, #tpu.memory_space<vmem_shared>>)
      %scan3A_63 = arith.constant 0 : i32
      %scan3A_64 = arith.constant 1 : i32
      %scan3A_65 = arith.addi %scan3A_56, %scan3A_64 : i32
      %dma_wait3A_66 = arith.constant 0 : i32
      %dma_wait3A_67 = tpu.memref_slice %arg6[%scan3A_65, %dma_wait3A_66] : memref<128x128xi32, #tpu.memory_space<vmem>> -> memref<1x128xi32, #tpu.memory_space<vmem>>
      %dma_wait3A_68 = tpu.memref_squeeze %dma_wait3A_67 : memref<1x128xi32, #tpu.memory_space<vmem>> -> memref<128xi32, #tpu.memory_space<vmem>>
      %dma_wait3A_69 = arith.constant 0 : i32
      %dma_wait3A_70 = tpu.memref_slice %arg11[%dma_wait3A_69] : memref<131072xf32, #tpu.memory_space<vmem_shared>> -> memref<131072xf32, #tpu.memory_space<vmem_shared>>
      tpu.wait_indirect_dma semaphore(%arg14 : memref<!tpu.dma_semaphore, #tpu.memory_space<semaphore_mem>>) src(%arg7 : memref<128xf32, #tpu.memory_space<vmem>>) dst(%dma_wait3A_70 : memref<131072xf32, #tpu.memory_space<vmem_shared>>)
      %scan3A_71 = arith.constant 0 : i32
      %scan3A_72 = arith.constant 2 : i32
      %scan3A_73 = arith.addi %scan3A_56, %scan3A_72 : i32
      %dma_wait3A_74 = arith.constant 0 : i32
      %dma_wait3A_75 = tpu.memref_slice %arg6[%scan3A_73, %dma_wait3A_74] : memref<128x128xi32, #tpu.memory_space<vmem>> -> memref<1x128xi32, #tpu.memory_space<vmem>>
      %dma_wait3A_76 = tpu.memref_squeeze %dma_wait3A_75 : memref<1x128xi32, #tpu.memory_space<vmem>> -> memref<128xi32, #tpu.memory_space<vmem>>
      %dma_wait3A_77 = arith.constant 0 : i32
      %dma_wait3A_78 = tpu.memref_slice %arg11[%dma_wait3A_77] : memref<131072xf32, #tpu.memory_space<vmem_shared>> -> memref<131072xf32, #tpu.memory_space<vmem_shared>>
      tpu.wait_indirect_dma semaphore(%arg14 : memref<!tpu.dma_semaphore, #tpu.memory_space<semaphore_mem>>) src(%arg7 : memref<128xf32, #tpu.memory_space<vmem>>) dst(%dma_wait3A_78 : memref<131072xf32, #tpu.memory_space<vmem_shared>>)
      %scan3A_79 = arith.constant 0 : i32
      %scan3A_80 = arith.constant 3 : i32
      %scan3A_81 = arith.addi %scan3A_56, %scan3A_80 : i32
      %dma_wait3A_82 = arith.constant 0 : i32
      %dma_wait3A_83 = tpu.memref_slice %arg6[%scan3A_81, %dma_wait3A_82] : memref<128x128xi32, #tpu.memory_space<vmem>> -> memref<1x128xi32, #tpu.memory_space<vmem>>
      %dma_wait3A_84 = tpu.memref_squeeze %dma_wait3A_83 : memref<1x128xi32, #tpu.memory_space<vmem>> -> memref<128xi32, #tpu.memory_space<vmem>>
      %dma_wait3A_85 = arith.constant 0 : i32
      %dma_wait3A_86 = tpu.memref_slice %arg11[%dma_wait3A_85] : memref<131072xf32, #tpu.memory_space<vmem_shared>> -> memref<131072xf32, #tpu.memory_space<vmem_shared>>
      tpu.wait_indirect_dma semaphore(%arg14 : memref<!tpu.dma_semaphore, #tpu.memory_space<semaphore_mem>>) src(%arg7 : memref<128xf32, #tpu.memory_space<vmem>>) dst(%dma_wait3A_86 : memref<131072xf32, #tpu.memory_space<vmem_shared>>)
      %scan3A_87 = arith.constant 0 : i32
      scf.yield %scan3A_87 : i32
    }
    %scan3A_36 = arith.constant 128 : i32
    %barrier3A_37 = arith.constant 0 : index
    tpu.barrier barrier_id(%barrier3A_37)
    %mul3A_38 = arith.constant 8192 : i32
    %mul3A_39 = arith.muli %arg1, %mul3A_38 : i32
    "tpu.region"() ({
      %run_scoped3A = tpu.sem_alloc : memref<!tpu.dma_semaphore, #tpu.memory_space<semaphore_mem>>
      %dma_start3A_56 = tpu.memref_slice %arg11[%mul3A_39] : memref<131072xf32, #tpu.memory_space<vmem_shared>> -> memref<8192xf32, #tpu.memory_space<vmem_shared>>
      %dma_start3A_57 = tpu.memref_slice %arg11[%mul3A_39] : memref<131072xf32, #tpu.memory_space<vmem_shared>> -> memref<8192xf32, #tpu.memory_space<vmem_shared>>
      tpu.enqueue_dma source(%dma_start3A_57 : memref<8192xf32, #tpu.memory_space<vmem_shared>>) target(%arg8 : memref<8192xf32, #tpu.memory_space<vmem>>) target_semaphore(%run_scoped3A : memref<!tpu.dma_semaphore, #tpu.memory_space<semaphore_mem>>)
      %dma_wait3A_58 = tpu.memref_slice %arg11[%mul3A_39] : memref<131072xf32, #tpu.memory_space<vmem_shared>> -> memref<8192xf32, #tpu.memory_space<vmem_shared>>
      %dma_wait3A_59 = tpu.memref_slice %arg11[%mul3A_39] : memref<131072xf32, #tpu.memory_space<vmem_shared>> -> memref<8192xf32, #tpu.memory_space<vmem_shared>>
      tpu.wait_dma2 semaphore(%run_scoped3A : memref<!tpu.dma_semaphore, #tpu.memory_space<semaphore_mem>>) src(%dma_wait3A_59 : memref<8192xf32, #tpu.memory_space<vmem_shared>>) dst(%arg8 : memref<8192xf32, #tpu.memory_space<vmem>>)
      tpu.yield
    }) : () -> ()
    tpu.wait_dma2 semaphore(%arg13 : memref<!tpu.dma_semaphore, #tpu.memory_space<semaphore_mem>>) src(%arg3 : memref<16392xf32, #tpu.memory_space<hbm>>) dst(%arg9 : memref<16392xf32, #tpu.memory_space<vmem>>)
    %broadcast_in_dim3A = arith.constant 0.000000e+00 : f32
    %broadcast_in_dim3A_40 = vector.broadcast %broadcast_in_dim3A : f32 to vector<16xf32>
    %scan3A_41 = arith.constant 0 : i32
    %scan3A_42 = arith.constant 512 : i32
    %scan3A_43 = arith.addi %scan3A_41, %scan3A_42 : i32
    %scan3A_44 = arith.constant 4 : i32
    %scan3A_45 = scf.for %scan3A_56 = %scan3A_41 to %scan3A_43 step %scan3A_44 iter_args(%scan3A_57 = %broadcast_in_dim3A_40) -> (vector<16xf32>)  : i32 {
      %mul3A_58 = arith.constant 16 : i32
      %mul3A_59 = arith.muli %scan3A_56, %mul3A_58 : i32
      %get3A = arith.index_cast %mul3A_59 : i32 to index
      %get3A_60 = tpu.vector_load %arg8[%get3A] {strides = array<i32>} : memref<8192xf32, #tpu.memory_space<vmem>>, vector<16xf32>,
      %convert_element_type3A = arith.fptosi %get3A_60 : vector<16xf32> to vector<16xi32>
      %gather3A = tpu.vector_load_idx %arg9[%convert_element_type3A] : memref<16392xf32, #tpu.memory_space<vmem>>[vector<16xi32>], vector<16xf32>,
      %add3A_61 = arith.addf %scan3A_57, %gather3A : vector<16xf32>
      %scan3A_62 = arith.constant 1 : i32
      %scan3A_63 = arith.addi %scan3A_56, %scan3A_62 : i32
      %mul3A_64 = arith.constant 16 : i32
      %mul3A_65 = arith.muli %scan3A_63, %mul3A_64 : i32
      %get3A_66 = arith.index_cast %mul3A_65 : i32 to index
      %get3A_67 = tpu.vector_load %arg8[%get3A_66] {strides = array<i32>} : memref<8192xf32, #tpu.memory_space<vmem>>, vector<16xf32>,
      %convert_element_type3A_68 = arith.fptosi %get3A_67 : vector<16xf32> to vector<16xi32>
      %gather3A_69 = tpu.vector_load_idx %arg9[%convert_element_type3A_68] : memref<16392xf32, #tpu.memory_space<vmem>>[vector<16xi32>], vector<16xf32>,
      %add3A_70 = arith.addf %add3A_61, %gather3A_69 : vector<16xf32>
      %scan3A_71 = arith.constant 2 : i32
      %scan3A_72 = arith.addi %scan3A_56, %scan3A_71 : i32
      %mul3A_73 = arith.constant 16 : i32
      %mul3A_74 = arith.muli %scan3A_72, %mul3A_73 : i32
      %get3A_75 = arith.index_cast %mul3A_74 : i32 to index
      %get3A_76 = tpu.vector_load %arg8[%get3A_75] {strides = array<i32>} : memref<8192xf32, #tpu.memory_space<vmem>>, vector<16xf32>,
      %convert_element_type3A_77 = arith.fptosi %get3A_76 : vector<16xf32> to vector<16xi32>
      %gather3A_78 = tpu.vector_load_idx %arg9[%convert_element_type3A_77] : memref<16392xf32, #tpu.memory_space<vmem>>[vector<16xi32>], vector<16xf32>,
      %add3A_79 = arith.addf %add3A_70, %gather3A_78 : vector<16xf32>
      %scan3A_80 = arith.constant 3 : i32
      %scan3A_81 = arith.addi %scan3A_56, %scan3A_80 : i32
      %mul3A_82 = arith.constant 16 : i32
      %mul3A_83 = arith.muli %scan3A_81, %mul3A_82 : i32
      %get3A_84 = arith.index_cast %mul3A_83 : i32 to index
      %get3A_85 = tpu.vector_load %arg8[%get3A_84] {strides = array<i32>} : memref<8192xf32, #tpu.memory_space<vmem>>, vector<16xf32>,
      %convert_element_type3A_86 = arith.fptosi %get3A_85 : vector<16xf32> to vector<16xi32>
      %gather3A_87 = tpu.vector_load_idx %arg9[%convert_element_type3A_86] : memref<16392xf32, #tpu.memory_space<vmem>>[vector<16xi32>], vector<16xf32>,
      %add3A_88 = arith.addf %add3A_79, %gather3A_87 : vector<16xf32>
      scf.yield %add3A_88 : vector<16xf32>
    }
    %scan3A_46 = arith.constant 512 : i32
    %reduce_sum3A = arith.constant true
    %reduce_sum3A_47 = vector.broadcast %reduce_sum3A : i1 to vector<16xi1>
    %reduce_sum3A_48 = tpu.scan <sum>, %scan3A_45 masked %reduce_sum3A_47 : vector<16xf32>, vector<16xi1> -> vector<16xf32>
    %reduce_sum3A_49 = vector.extract %reduce_sum3A_48[15] : f32 from vector<16xf32>
    %broadcast_in_dim3A_50 = vector.broadcast %reduce_sum3A_49 : f32 to vector<16xf32>
    %swap3A = arith.constant 0 : index
    %swap3A_51 = tpu.vector_load %arg10[%swap3A] {strides = array<i32>} : memref<16xf32, #tpu.memory_space<vmem>>, vector<16xf32>,
    tpu.vector_store %arg10[%swap3A], %broadcast_in_dim3A_50 {strides = array<i32>} : memref<16xf32, #tpu.memory_space<vmem>>, vector<16xf32>,
    %mul3A_52 = arith.constant 16 : i32
    %mul3A_53 = arith.muli %arg0, %mul3A_52 : i32
    %add3A = arith.addi %mul3A_53, %arg1 : i32
    %mul3A_54 = arith.constant 16 : i32
    %mul3A_55 = arith.muli %add3A, %mul3A_54 : i32
    "tpu.region"() ({
      %run_scoped3A = tpu.sem_alloc : memref<!tpu.dma_semaphore, #tpu.memory_space<semaphore_mem>>
      %dma_start3A_56 = tpu.memref_slice %arg4[%mul3A_55] : memref<512xf32, #tpu.memory_space<hbm>> -> memref<16xf32, #tpu.memory_space<hbm>>
      %dma_start3A_57 = tpu.memref_slice %arg4[%mul3A_55] : memref<512xf32, #tpu.memory_space<hbm>> -> memref<16xf32, #tpu.memory_space<hbm>>
      tpu.enqueue_dma source(%arg10 : memref<16xf32, #tpu.memory_space<vmem>>) target(%dma_start3A_57 : memref<16xf32, #tpu.memory_space<hbm>>) target_semaphore(%run_scoped3A : memref<!tpu.dma_semaphore, #tpu.memory_space<semaphore_mem>>)
      %dma_wait3A_58 = tpu.memref_slice %arg4[%mul3A_55] : memref<512xf32, #tpu.memory_space<hbm>> -> memref<16xf32, #tpu.memory_space<hbm>>
      %dma_wait3A_59 = tpu.memref_slice %arg4[%mul3A_55] : memref<512xf32, #tpu.memory_space<hbm>> -> memref<16xf32, #tpu.memory_space<hbm>>
      tpu.wait_dma2 semaphore(%run_scoped3A : memref<!tpu.dma_semaphore, #tpu.memory_space<semaphore_mem>>) src(%arg10 : memref<16xf32, #tpu.memory_space<vmem>>) dst(%dma_wait3A_59 : memref<16xf32, #tpu.memory_space<hbm>>)
      tpu.yield
    }) : () -> ()
    return
  }
}

module attributes {stable_mosaic.version = 14 : i64} {
  func.func @_tc_loss(%arg0: memref<512xf32, #tpu.memory_space<vmem>>, %arg1: memref<1x1xf32, #tpu.memory_space<smem>>) attributes {dimension_semantics = [], scalar_prefetch = 0 : i64, scratch_operands = 0 : i64, tpu.core_type = #tpu.core_type<tc>} {
    %get3A = arith.constant 0 : index
    %get3A_0 = vector.load %arg0[%get3A] : memref<512xf32, #tpu.memory_space<vmem>>, vector<512xf32>
    %log3A = arith.constant 8.192000e+03 : f32
    %log3A_1 = math.log %log3A : f32
    %add3A = vector.broadcast %log3A_1 : f32 to vector<512xf32>
    %add3A_2 = arith.addf %add3A, %get3A_0 : vector<512xf32>
    %mul3A = arith.mulf %add3A_2, %add3A_2 : vector<512xf32>
    %reduce_sum3A = vector.shape_cast %mul3A : vector<512xf32> to vector<1x512xf32>
    %reduce_sum3A_3 = arith.constant dense<0.000000e+00> : vector<1xf32>
    %reduce_sum3A_4 = vector.multi_reduction <add>, %reduce_sum3A, %reduce_sum3A_3 [1] : vector<1x512xf32> to vector<1xf32>
    %reduce_sum3A_5 = vector.shape_cast %reduce_sum3A_4 : vector<1xf32> to vector<1x1xf32>
    %reduce_sum3A_6 = vector.extract %reduce_sum3A_5[0, 0] : f32 from vector<1x1xf32>
    %mul3A_7 = arith.constant 0.001953125 : f32
    %mul3A_8 = arith.mulf %reduce_sum3A_6, %mul3A_7 : f32
    %swap3A = arith.constant 0 : index
    %swap3A_9 = arith.constant 0 : index
    %swap3A_10 = memref.load %arg1[%swap3A, %swap3A_9] : memref<1x1xf32, #tpu.memory_space<smem>>
    memref.store %mul3A_8, %arg1[%swap3A, %swap3A_9] : memref<1x1xf32, #tpu.memory_space<smem>>
    return
  }
}

</mosaic_0001>

<sc_bundles>
// kernel: kernel.4.cloned.1.call-start
scs
__scs_entry_jumppad:
0x0: {  	(pc) =	sbr.rel $0x88, $3  }
0x1: {  	(tag) =	ssettag $0x0;
	lr =	simm.s32 $0x1  }
0x2: {  	[smem:$0x3FA0] =	sst lr;
	_ =	strace $0xD0000000  }
0x3: {  	_ = 	snop  }
0x4: {  	_ = 	snop  }
0x5: {  	_ = 	snop  }
0x6: {  	_ = 	snop  }
0x7: {  	_ = 	snop  }
__scs_overlays_trampoline_lowered:
0x8: {  	[smem:$0x3FAF] =	sst s0  }
0x9: {  	[smem:$0x3FB0] =	sst s1  }
0xa: {  	[smem:$0x3FB1] =	sst s2  }
0xb: {  	[smem:$0x3FB2] =	sst s3  }
0xc: {  	[smem:$0x3FB3] =	sst s4  }
0xd: {  	[smem:$0x3FB4] =	sst s5  }
0xe: {  	[smem:$0x3FB5] =	sst s6  }
0xf: {  	[smem:$0x3FB6] =	sst s7  }
0x10: {  	[smem:$0x3FB7] =	sst s8  }
0x11: {  	[smem:$0x3FB8] =	sst s9;
	s0 =	simm.s32 @!p0 $0x0  }
0x12: {  	s1 =	sld [smem:$0x3F9E];
	s0 =	simm.s32 @p0 $0x1  }
0x13: {  	[smem:$0x3FB9] =	sst s0;
	s0 =	simm.s32 @!p1 $0x0  }
0x14: {  	s2 =	sld [smem:$0x3F9D];
	s0 =	simm.s32 @p1 $0x1  }
0x15: {  	[smem:$0x3FBA] =	sst s0;
	s0 =	simm.s32 @!p2 $0x0  }
0x16: {  	s3 =	sld [smem:$0x3FDB];
	s0 =	simm.s32 @p2 $0x1  }
0x17: {  	s4 =	simm.s32 $0x1BF5;
	[smem:$0x3FBC] =	sst s0  }
0x18: {  	s0 =	sld [smem:$0x3F9F];
	_ =	swait.ge [sflag:s4], $0x0  }
0x19: {  	s7 =	sld [smem:$0x3FA0]  }
0x1a: {  	s8 =	sadd.s32 $0xFFFFE003, lr  }
0x1b: {  	s9 =	sadd.s32 $0xFFFFFEF7, lr;
	s5 =	simm.s32 $0xFFFFFFFF;
	p2 =	slt.u32 s8, $0xFFFFF086  }
0x1c: {  	p1 =	slt.u32 s9, $0xF7A;
	s5 =	simm.s32 @!p2 $0x0  }
0x1d: {  	s5 =	simm.s32 @p1 $0x1;
	p0 =	seq.s32 s7, s2  }
0x1e: {  	s7 =	smul.u32 @!p0 $0xF7A, s2;
	p2 =	seq.s32 @!p0 s5, $0x0  }
0x1f: {  	s9 =	smul.u32 $0xF7A, s1;
	s8 =	simm.s32 @!p0 $0x1BF5;
	p2 =	por !p2, p0  }
0x20: {  	[sflag:s8] =	ssyncset.s32 @!p0 $0xFFFFF086;
	s6 =	sadd.s32 @!p0 s3, s7;
	s7 =	simm.s32 @!p0 $0x108  }
0x21: {  	s3 =	sadd.s32 s3, s9;
	s6 =	sadd.s32 @!p0 $0x88, s6;
	s7 =	simm.s32 @p2 $0x1082  }
0x22: {  	[simem:s7], [sflag:s8] =	dma.local @!p0 [hbm:s6], $0xF7A  }
0x23: {  	s9 =	sor.u32 $0xD0000000, s2;
	s6 =	simm.s32 $0x108;
	_ =	swait.ge @!p0 [sflag:s8], $0x0  }
0x24: {  	s3 =	sadd.s32 $0x88, s3;
	s6 =	simm.s32 @!p1 $0x1082;
	[sflag:s4] =	ssyncset.s32 $0xFFFFF086  }
0x25: {  	[simem:s6], [sflag:s4] =	dma.local [hbm:s3], $0xF7A  }
0x26: {  	[smem:$0x3FA0] =	sst s1;
	(tag) =	ssettag s2;
	_ =	strace s9  }
0x27: {  	s1 =	sld [smem:$0x3FB0]  }
0x28: {  	s2 =	sld [smem:$0x3FB1]  }
0x29: {  	s4 =	sld [smem:$0x3FB3]  }
0x2a: {  	p0 =	seq.s32 s5, $0x0;
	s5 =	sld [smem:$0x3FB4]  }
0x2b: {  	s6 =	sld [smem:$0x3FB5]  }
0x2c: {  	s7 =	sld [smem:$0x3FB6]  }
0x2d: {  	s3 =	simm.s32 $0x108;
	s8 =	sld [smem:$0x3FB7]  }
0x2e: {  	s3 =	simm.s32 @!p0 $0x1082;
	s9 =	sld [smem:$0x3FB8]  }
0x2f: {  	lr =	sadd.s32 s0, s3;
	s0 =	sld [smem:$0x3FAF]  }
0x30: {  	s3 =	sld [smem:$0x3FB2]  }
0x31: {  	[smem:$0x3FBB] =	sst s10  }
0x32: {  	s10 =	sld [smem:$0x3FB9];
	_ =	sdelay $0x3  }
0x33: {  	p0 =	seq.s32 s10, $0x1;
	s10 =	sld [smem:$0x3FBB];
	_ =	sdelay $0x3  }
0x34: {  	[smem:$0x3FBB] =	sst s10  }
0x35: {  	s10 =	sld [smem:$0x3FBA];
	_ =	sdelay $0x3  }
0x36: {  	p1 =	seq.s32 s10, $0x1;
	s10 =	sld [smem:$0x3FBB];
	_ =	sdelay $0x3  }
0x37: {  	[smem:$0x3FBB] =	sst s10  }
0x38: {  	s10 =	sld [smem:$0x3FBC]  }
0x39: {  	_ = 	snop;
	(pc) =	sbr.ind lr, $3  }
0x3a: {  	_ = 	snop  }
0x3b: {  	_ = 	snop  }
0x3c: {  	p2 =	seq.s32 s10, $0x1;
	s10 =	sld [smem:$0x3FBB]  }
0x3d: {  	_ =	shalt  }
0x3e: {  	_ =	shalt  }
0x3f: {  	_ =	shalt  }
0x40: {  	_ =	shalt  }
0x41: {  	_ =	shalt  }
0x42: {  	_ =	shalt  }
0x43: {  	_ =	shalt  }
0x44: {  	_ =	shalt  }
0x45: {  	_ =	shalt  }
0x46: {  	_ =	shalt  }
0x47: {  	_ =	shalt  }
0x48: {  	_ =	shalt  }
0x49: {  	_ =	shalt  }
0x4a: {  	_ =	shalt  }
0x4b: {  	_ =	shalt  }
0x4c: {  	_ =	shalt  }
0x4d: {  	_ =	shalt  }
0x4e: {  	_ =	shalt  }
0x4f: {  	_ =	shalt  }
0x50: {  	_ =	shalt  }
0x51: {  	_ =	shalt  }
0x52: {  	_ =	shalt  }
0x53: {  	_ =	shalt  }
0x54: {  	_ =	shalt  }
0x55: {  	_ =	shalt  }
0x56: {  	_ =	shalt  }
0x57: {  	_ =	shalt  }
0x58: {  	_ =	shalt  }
0x59: {  	_ =	shalt  }
0x5a: {  	_ =	shalt  }
0x5b: {  	_ =	shalt  }
0x5c: {  	_ =	shalt  }
0x5d: {  	_ =	shalt  }
0x5e: {  	_ =	shalt  }
0x5f: {  	_ =	shalt  }
0x60: {  	_ =	shalt  }
0x61: {  	_ =	shalt  }
0x62: {  	_ =	shalt  }
0x63: {  	_ =	shalt  }
0x64: {  	_ =	shalt  }
0x65: {  	_ =	shalt  }
0x66: {  	_ =	shalt  }
0x67: {  	_ =	shalt  }
0x68: {  	_ =	shalt  }
0x69: {  	_ =	shalt  }
0x6a: {  	_ =	shalt  }
0x6b: {  	_ =	shalt  }
0x6c: {  	_ =	shalt  }
0x6d: {  	_ =	shalt  }
0x6e: {  	_ =	shalt  }
0x6f: {  	_ =	shalt  }
0x70: {  	_ =	shalt  }
0x71: {  	_ =	shalt  }
0x72: {  	_ =	shalt  }
0x73: {  	_ =	shalt  }
0x74: {  	_ =	shalt  }
0x75: {  	_ =	shalt  }
0x76: {  	_ =	shalt  }
0x77: {  	_ =	shalt  }
0x78: {  	_ =	shalt  }
0x79: {  	_ =	shalt  }
0x7a: {  	_ =	shalt  }
0x7b: {  	_ =	shalt  }
0x7c: {  	_ =	shalt  }
0x7d: {  	_ =	shalt  }
0x7e: {  	_ =	shalt  }
0x7f: {  	_ =	shalt  }
0x80: {  	_ =	shalt  }
0x81: {  	_ =	shalt  }
0x82: {  	_ =	shalt  }
0x83: {  	_ =	shalt  }
0x84: {  	_ =	shalt  }
0x85: {  	_ =	shalt  }
0x86: {  	_ =	shalt  }
0x87: {  	_ =	shalt  }
.Lfunc_end0:
.L_simem_size_0:
called_computation_lowered:
.L_overlay_start_0:
0x88: {  	s2 =	sld [smem:$0x3FD9]  }
0x89: {  	s3 =	sld [smem:$0x3FFE];
	_ =	sdelay $0x1  }
0x8a: {  	s1 =	srdreg.scid  }
0x8b: {  	s0 =	sand.u32 $0x1, s1  }
0x8c: {  	s16 =	sshll.u32 s0, $0xA;
	s2 =	sadd.s32 s3, s2  }
0x8d: {  	s2 =	sadd.s32 s2, s16  }
0x8e: {  	[smem:$0x3FC7] =	sst s2  }
0x8f: {  	_ = 	snop  }
0x90: {  	(tm) =	ssettm $0x1  }
0x91: {  	s17 =	sld [smem:$0x3FFB];
	_ =	sdelay $0x3  }
0x92: {  	_ =	strace s17  }
0x93: {  	s2 =	sld [smem:$0x3FFC];
	_ =	sdelay $0x3  }
0x94: {  	_ =	strace s2  }
0x95: {  	s2 =	sld [smem:$0x3FFD];
	_ =	sdelay $0x3  }
0x96: {  	_ =	strace s2  }
0x97: {  	_ =	strace $0x8FFFFFFF  }
0x98: {  	s18 =	sld [smem:$0x3FDB];
	_ =	sdelay $0x1  }
0x99: {  	s19 =	simm.s32 $_scs_section_size  }
0x9a: {  	s4 =	simm.s32 $_size__tile_overlayer_lowered;
	s5 =	simm.s32 $_tile_overlayer_lowered  }
0x9b: {  	s22 =	simm.s32 $0x1BFF;
	s21 =	sshll.u32 s5, $0x1;
	s2 =	sadd.s32 s19, s18  }
0x9c: {  	s6 =	simm.s32 $0x0;
	s20 =	sshll.u32 s4, $0x1;
	s4 =	sadd.s32 s21, s2  }
0x9d: {  	[timem:s6], [sflag:s22] =	dma.local [hbm:s4], s20  }
0x9e: {  	_ =	swait.ge [sflag:s22], s20  }
0x9f: {  	s3 =	ssub.s32 $0x0, s20;
	[sflag:s22] =	ssyncset.done $0x0  }
0xa0: {  	[sflag:s22] =	ssyncadd.s32 s3;
	_ =	sdelay $0x1  }
0xa1: {  	s23 =	simm.s32 $0x1B8B  }
0xa2: {  	_ =	swait.ge [sflag:s23], $0x1  }
0xa3: {  	[sflag:s23] =	ssyncset.done $0x0  }
0xa4: {  	s25 =	simm.s32 $0x1B8E;
	s24 =	sld [smem:$0x3FFE];
	[sflag:s23] =	ssyncadd.s32 $0xFFFFFFFF  }
0xa5: {  	s26 =	simm.s32 $execute0_lowered;
	[smem:$0x3FD2] =	sst s25  }
0xa6: {  	s4 =	sshll.u32 s26, $0x1;
	_ =	strace $0x80000046;
	[dreg:$0x1] =	wrdreg $0xFFFFFFFF  }
0xa7: {  	s28 =	simm.s32 $_size_execute0_lowered;
	s2 =	sadd.s32 s2, s4;
	[dreg:$0x0] =	wrdreg $0x0  }
0xa8: {  	s4 =	sshll.u32 s28, $0x1;
	[dreg:$0x2] =	wrdreg s2  }
0xa9: {  	[dreg:$0x3] =	wrdreg s4  }
0xaa: {  	[dreg:$0x4] =	wrdreg $0xC0  }
0xab: {  	_ =	task [dreg:s6], $0x5FFFF  }
0xac: {  	[dreg:$0x1] =	wrdreg $0xFFFFFFFF  }
0xad: {  	[dreg:$0x0] =	wrdreg $0x60  }
0xae: {  	[dreg:$0x2] =	wrdreg s24  }
0xaf: {  	[dreg:$0x3] =	wrdreg $0xE0980  }
0xb0: {  	[dreg:$0x4] =	wrdreg $0x9  }
0xb1: {  	_ =	task.clear_ibuf [dreg:s6], $0x5FFFF;
	_ =	strace $0x90000046  }
0xb2: {  	s29 =	simm.s32 $0x9;
	_ =	strace $0x80000048  }
0xb3: {  	_ =	swait.ge [sflag:s29], $0x1  }
0xb4: {  	[sflag:s29] =	ssyncadd.s32 $0xFFFFFFFF  }
0xb5: {  	_ =	strace $0x90000048  }
0xb6: {  	_ =	sfence  }
0xb7: {  	s30 =	sld [smem:$0x0];
	_ =	sdelay $0x2  }
0xb8: {  	s31 =	sshll.u32 s1, $0xD;
	s1 =	sshrl.u32 s1, $0x2  }
0xb9: {  	s3 =	sand.u32 $0x4000, s31;
	s1 =	sadd.s32 s1, s30  }
0xba: {  	s0 =	sor.u32 s3, s0;
	s1 =	sshll.u32 s1, $0x11  }
0xbb: {  	s0 =	sor.u32 s1, s0  }
0xbc: {  	s0 =	sadd.s32 $0x8F2B, s0  }
0xbd: {  	[sflag:s0] =	ssyncadd.remote.s32 $0x1  }
0xbe: {  	_ =	sfence.sel $0xFFFF  }
0xbf: {  	[dreg:$0x0] =	wrdreg $0xFFFFFFFF;
	(pc) =	sbr.abs _section_cstart, $3  }
0xc0: {  	[dreg:$0x1] =	wrdreg $0xFFFFFFFF  }
0xc1: {  	_ =	task.clear_ibuf [dreg:s6], $0x2FFFF;
	_ =	strace $0x9FFFFFFF  }
0xc2: {  	(tm) =	ssettm $0x7FFFFFFF  }
0xc3: {  	_ =	shalt  }
tec
execute0_lowered:
.L_overlay_start_1:
0x0: {  	(tag) =	ssettag $0x1  }
0x1: {  	s5 =	rddreg [dreg:$0x0]  }
0x2: {  	s2 =	rddreg [dreg:$0x1];
	s3 =	srdreg.scid  }
0x3: {  	s0 =	rddreg [dreg:$0x2];
	s1 =	stileid.u32  }
0x4: {  	s11 =	simm.s32 $0xA080;
	s12 =	simm.s32 $0x8080;
	s13 =	simm.s32 $0x4  }
0x5: {  	s14 =	simm.s32 $0x1;
	s15 =	simm.s32 $0x80;
	s16 =	simm.s32 $0x8000  }
0x6: {  	s17 =	simm.s32 $0x3;
	s18 =	simm.s32 $0x2;
	s19 =	simm.s32 $0xE088  }
0x7: {  	s20 =	simm.s32 $0x0;
	s4 =	sand.u32 $0x1, s3;
	s3 =	simm.s32 $0x0  }
0x8: {  	s7 =	sshll.u32 s1, $0xF;
	s6 =	sshll.u32 s4, $0x4;
	[smem:$0x7FF] =	sst s3  }
0x9: {  	s9 =	ssub.s32 $0x2, s4;
	s4 =	sadd.s32 $0x10800, s5;
	s31 =	sshrl.u32 s7, $0x2  }
0xa: {  	s8 =	sor.u32 s6, s7;
	_ =	strace $0x80000047;
	s6 =	sor.u32 s1, s6  }
0xb: {  	s30 =	sshrl.u32 s9, $0x1;
	s8 =	sshrl.u32 s8, $0x3;
	s6 =	sshll.u32 s6, $0x1  }
0xc: {  	v2 =	vlaneseq.u32;
	s9 =	ssub.s32 s9, s30;
	s8 =	sadd.s32 s8, s5;
	s10 =	sadd.s32 s6, s5  }
0xd: {  	v2 =	vmul.u32 $0x2000, v2;
	s6 =	sadd.s32 s31, s2;
	s5 =	sadd.s32 $0x800, s8;
	s7 =	sadd.s32 $0x11200, s10  }
0xe: {  	v0 =	vimm.f32 $1.000000000e+00;
	v1 =	vimm.f32 $0.0e+00;
	s8 =	smax.u32 s9, $0x1;
	s9 =	simm.s32 $0x10;
	s10 =	simm.s32 $0x20  }
.LBB2_1:
0xf: {  	[tilespmem:s3], [sflag:$0x1] =	stream.strided.gather [hbm4b:s5+s9], $0x4000, s10, s9, $0x38;
	[tilespmem:$0x10098] =	vst v63  }
0x10: {  	_ = 	snop  }
0x11: {  	[tilespmem:s11], [sflag:$0x2] =	stream.linear.gather [hbm4b:s4+s3], $0x4008, $0x38;
	[tilespmem:$0x10098] =	vst v63  }
0x12: {  	[tilespmem:$0x8000] =	vst v0  }
0x13: {  	[tilespmem:$0x8010] =	vst v0  }
0x14: {  	[tilespmem:$0x8020] =	vst v0  }
0x15: {  	[tilespmem:$0x8030] =	vst v0  }
0x16: {  	[tilespmem:$0x8040] =	vst v0  }
0x17: {  	[tilespmem:$0x8050] =	vst v0  }
0x18: {  	[tilespmem:$0x8060] =	vst v0  }
0x19: {  	s21 =	simm.s32 $0x40;
	s22 =	simm.s32 $0x0;
	[tilespmem:$0x8070] =	vst v0  }
.LBB2_2:
0x1a: {  	p0 =	sne.s32 s21, $0x7FC0;
	[tilespmem:s22+$0x8080] =	vst v1;
	s22 =	smov.u32 s21;
	s21 =	sadd.s32 $0x40, s21  }
.Ltmp0:
0x1b: {  	(pc) =	sbr.rel @p0 .LBB2_2-.Ltmp0, $2  }
0x1c: {  	_ =	sdelay $0x2  }
0x1d: {  	s22 =	sshra.s32 s22, $0x2  }
0x1e: {  	[tilespmem:s22+$0x8080] =	vst v1  }
0x1f: {  	[spmem:s6] =	stream.linear.scatter [tilespmem:s12], [sflag:$0x4], $0x2000, $0x38;
	[tilespmem:$0x10098] =	vst v63  }
0x20: {  	_ =	swait.ge [sflag:s13], $0x2000  }
0x21: {  	[sflag:s13] =	ssyncset.done $0x0  }
0x22: {  	[sflag:s13] =	ssyncadd.s32 $0xFFFFE000  }
0x23: {  	_ =	swait.ge [sflag:s14], $0x4000  }
0x24: {  	[sflag:s14] =	ssyncset.done $0x0  }
0x25: {  	[sflag:s14] =	ssyncadd.s32 $0xFFFFC000  }
0x26: {  	s21 =	simm.s32 $0x0;
	[bflag:$0x0] =	sbarrier.arrive $0xFFFF  }
0x27: {  	v4 =	vld [tilespmem:s21+$0x0]  }
0x28: {  	v6 =	vld [tilespmem:s21+$0x10]  }
0x29: {  	v7 =	vld [tilespmem:s21+$0x20]  }
0x2a: {  	v5 =	vld [tilespmem:s21+$0x30]  }
0x2b: {  	v3 =	vld [tilespmem:s21+$0x40]  }
0x2c: {  	v8 =	vadd.s32 v2, v4;
	v4 =	vld [tilespmem:s21+$0x50]  }
0x2d: {  	s22 =	simm.s32 $0x200;
	[tilespmem:s21+$0x4000] =	vst v8;
	v8 =	vadd.s32 v2, v6;
	v6 =	vld [tilespmem:s21+$0x60]  }
.LBB2_4:
0x2e: {  	p0 =	sne.s32 s22, $0xFE00;
	[tilespmem:s21+$0x4010] =	vst v8;
	v7 =	vadd.s32 v2, v7;
	v8 =	vld [tilespmem:s21+$0x70]  }
0x2f: {  	[tilespmem:s21+$0x4020] =	vst v7;
	v5 =	vadd.s32 v2, v5  }
0x30: {  	[tilespmem:s21+$0x4030] =	vst v5;
	v3 =	vadd.s32 v2, v3  }
0x31: {  	[tilespmem:s21+$0x4040] =	vst v3;
	v3 =	vadd.s32 v2, v4  }
0x32: {  	[tilespmem:s21+$0x4050] =	vst v3;
	v3 =	vadd.s32 v2, v6  }
0x33: {  	s23 =	sshra.s32 s22, $0x2;
	s24 =	sadd.s32 $0x4000, s21;
	[tilespmem:s21+$0x4060] =	vst v3;
	v3 =	vadd.s32 v2, v8  }
0x34: {  	[tilespmem:s21+$0x4070] =	vst v3;
	[spmem:s2] =	stream.indirect.scatter.add.f32 [tilespmem:s16], [sflag:$0x3], $0x1, s24, s15, $0xb8  }
0x35: {  	s21 =	smov.u32 s23;
	v4 =	vld [tilespmem:s23+$0x0]  }
0x36: {  	v6 =	vld [tilespmem:s21+$0x10]  }
.Ltmp1:
0x37: {  	v7 =	vld [tilespmem:s21+$0x20];
	(pc) =	sbr.rel @p0 .LBB2_4-.Ltmp1, $4  }
0x38: {  	v5 =	vld [tilespmem:s21+$0x30]  }
0x39: {  	v3 =	vld [tilespmem:s21+$0x40]  }
0x3a: {  	v8 =	vadd.s32 v2, v4;
	v4 =	vld [tilespmem:s21+$0x50]  }
0x3b: {  	s22 =	sadd.s32 $0x200, s22;
	[tilespmem:s21+$0x4000] =	vst v8;
	v8 =	vadd.s32 v2, v6;
	v6 =	vld [tilespmem:s21+$0x60]  }
0x3c: {  	[tilespmem:s21+$0x4010] =	vst v8;
	v7 =	vadd.s32 v2, v7;
	v63 =	vld [tilespmem:s21+$0x70]  }
0x3d: {  	[tilespmem:s21+$0x4020] =	vst v7;
	v5 =	vadd.s32 v2, v5  }
0x3e: {  	[tilespmem:s21+$0x4030] =	vst v5;
	v3 =	vadd.s32 v2, v3  }
0x3f: {  	[tilespmem:s21+$0x4040] =	vst v3;
	v3 =	vadd.s32 v2, v4  }
0x40: {  	[tilespmem:s21+$0x4050] =	vst v3;
	v3 =	vadd.s32 v2, v6  }
0x41: {  	[tilespmem:s21+$0x4060] =	vst v3;
	v3 =	vadd.s32 v2, v63  }
0x42: {  	s22 =	sadd.s32 $0x4000, s21;
	[tilespmem:s21+$0x4070] =	vst v3  }
0x43: {  	[spmem:s2] =	stream.indirect.scatter.add.f32 [tilespmem:s16], [sflag:$0x3], $0x1, s22, s15, $0xb8;
	[tilespmem:$0x10098] =	vst v63  }
0x44: {  	_ =	swait.ge [sflag:s17], $0x80  }
0x45: {  	[sflag:s17] =	ssyncset.done $0x0  }
0x46: {  	[sflag:s17] =	ssyncadd.s32 $0xFFFFFF80  }
0x47: {  	_ =	swait.ge [sflag:s17], $0x80  }
0x48: {  	[sflag:s17] =	ssyncset.done $0x0  }
0x49: {  	[sflag:s17] =	ssyncadd.s32 $0xFFFFFF80  }
0x4a: {  	_ =	swait.ge [sflag:s17], $0x80  }
0x4b: {  	[sflag:s17] =	ssyncset.done $0x0  }
0x4c: {  	[sflag:s17] =	ssyncadd.s32 $0xFFFFFF80  }
0x4d: {  	_ =	swait.ge [sflag:s17], $0x80  }
0x4e: {  	s21 =	simm.s32 $0x0;
	[sflag:s17] =	ssyncset.done $0x0  }
.LBB2_6:
0x4f: {  	s21 =	sadd.s32 $0x4, s21;
	[sflag:s17] =	ssyncadd.s32 $0xFFFFFF80  }
0x50: {  	_ =	swait.ge [sflag:s17], $0x80;
	p0 =	slt.u32 s21, $0x7C  }
0x51: {  	[sflag:s17] =	ssyncset.done $0x0  }
0x52: {  	[sflag:s17] =	ssyncadd.s32 $0xFFFFFF80  }
0x53: {  	_ =	swait.ge [sflag:s17], $0x80  }
0x54: {  	[sflag:s17] =	ssyncset.done $0x0  }
0x55: {  	[sflag:s17] =	ssyncadd.s32 $0xFFFFFF80  }
.Ltmp2:
0x56: {  	_ =	swait.ge [sflag:s17], $0x80;
	(pc) =	sbr.rel @p0 .LBB2_6-.Ltmp2, $4  }
0x57: {  	[sflag:s17] =	ssyncset.done $0x0  }
0x58: {  	[sflag:s17] =	ssyncadd.s32 $0xFFFFFF80  }
0x59: {  	_ =	swait.ge [sflag:s17], $0x80  }
0x5a: {  	[sflag:s17] =	ssyncset.done $0x0  }
0x5b: {  	[sflag:s17] =	ssyncadd.s32 $0xFFFFFF80  }
0x5c: {  	[bflag:$0x0] =	sbarrier.arrive $0xFFFF  }
0x5d: {  	[tilespmem:s12], [sflag:$0x4] =	stream.linear.gather [spmem:s6], $0x2000, $0x38;
	[tilespmem:$0x10098] =	vst v63  }
0x5e: {  	_ =	swait.ge [sflag:s13], $0x2000  }
0x5f: {  	[sflag:s13] =	ssyncset.done $0x0  }
0x60: {  	[sflag:s13] =	ssyncadd.s32 $0xFFFFE000  }
0x61: {  	_ =	swait.ge [sflag:s18], $0x4008  }
0x62: {  	[sflag:s18] =	ssyncset.done $0x0  }
0x63: {  	s21 =	simm.s32 $0x80A0;
	[sflag:s18] =	ssyncadd.s32 $0xFFFFBFF8  }
0x64: {  	v3 =	vld [tilespmem:s21+$0xFFFFFFE0];
	_ =	sdelay $0x2  }
0x65: {  	v4 =	vld [tilespmem:s21+$0xFFFFFFF0]  }
0x66: {  	v5 =	vld [tilespmem:s21+$0x0]  }
0x67: {  	v6 =	vld [tilespmem:s21+$0x10];
	v3 =	vtrunc.f32 v3  }
0x68: {  	v3 =	vcvt.f32.s32 v3  }
0x69: {  	s30 =	simm.s32 $0x80E0  }
0x6a: {  	v7 =	vld [tilespmem:s30+$0xFFFFFFE0];
	v4 =	vtrunc.f32 v4  }
0x6b: {  	v5 =	vtrunc.f32 v5;
	v4 =	vcvt.f32.s32 v4  }
0x6c: {  	v8 =	vld [tilespmem:s30+$0xFFFFFFF0];
	v6 =	vtrunc.f32 v6;
	v5 =	vcvt.f32.s32 v5  }
0x6d: {  	v9 =	vld [tilespmem:s30+$0x0];
	v6 =	vcvt.f32.s32 v6  }
0x6e: {  	v3 =	vld.idx.msk [tilespmem:v3+s11+$0x0], $0xffff  }
0x6f: {  	s31 =	simm.s32 $0x8120;
	v10 =	vld [tilespmem:s30+$0x10];
	v7 =	vtrunc.f32 v7  }
0x70: {  	v13 =	vld [tilespmem:s31+$0xFFFFFFE0];
	v11 =	vcvt.f32.s32 v7  }
0x71: {  	v12 =	vld.idx.msk [tilespmem:v4+s11+$0x0], $0xffff;
	v4 =	vtrunc.f32 v8  }
0x72: {  	v15 =	vld.idx.msk [tilespmem:v5+s11+$0x0], $0xffff;
	v5 =	vimm.f32 $0.0e+00;
	v14 =	vcvt.f32.s32 v4  }
0x73: {  	v7 =	vld.idx.msk [tilespmem:v6+s11+$0x0], $0xffff;
	v8 =	vadd.f32 v3, v5;
	v5 =	vtrunc.f32 v9  }
0x74: {  	v4 =	vld [tilespmem:s31+$0xFFFFFFF0];
	v6 =	vcvt.f32.s32 v5  }
0x75: {  	v3 =	vld [tilespmem:s31+$0x0];
	v9 =	vtrunc.f32 v10  }
0x76: {  	v5 =	vld.idx.msk [tilespmem:v11+s11+$0x0], $0xffff;
	v10 =	vcvt.f32.s32 v9;
	v12 =	vadd.f32 v12, v8  }
0x77: {  	v11 =	vtrunc.f32 v13;
	v8 =	vld [tilespmem:s31+$0x10]  }
0x78: {  	s22 =	simm.s32 $0x8160;
	s21 =	simm.s32 $0x8;
	v9 =	vcvt.f32.s32 v11;
	v11 =	vld.idx.msk [tilespmem:v14+s11+$0x0], $0xffff;
	v12 =	vadd.f32 v15, v12  }
.LBB2_8:
0x79: {  	v13 =	vld [tilespmem:s22+$0xFFFFFFE0];
	v4 =	vtrunc.f32 v4  }
0x7a: {  	s21 =	sadd.s32 $0x4, s21;
	v14 =	vcvt.f32.s32 v4;
	v15 =	vld.idx.msk [tilespmem:v6+s11+$0x0], $0xffff;
	v7 =	vadd.f32 v7, v12  }
0x7b: {  	p0 =	slt.u32 s21, $0x1FC;
	v3 =	vtrunc.f32 v3;
	v4 =	vld [tilespmem:s22+$0xFFFFFFF0]  }
.Ltmp3:
0x7c: {  	v6 =	vcvt.f32.s32 v3;
	v12 =	vadd.f32 v5, v7;
	v7 =	vld.idx.msk [tilespmem:v10+s11+$0x0], $0xffff;
	(pc) =	sbr.rel @p0 .LBB2_8-.Ltmp3, $4  }
0x7d: {  	v8 =	vtrunc.f32 v8;
	v3 =	vld [tilespmem:s22+$0x0]  }
0x7e: {  	v10 =	vcvt.f32.s32 v8;
	v5 =	vld.idx.msk [tilespmem:v9+s11+$0x0], $0xffff;
	v12 =	vadd.f32 v11, v12  }
0x7f: {  	v9 =	vtrunc.f32 v13;
	v8 =	vld [tilespmem:s22+$0x10]  }
0x80: {  	v9 =	vcvt.f32.s32 v9;
	s22 =	sadd.s32 $0x40, s22;
	v11 =	vld.idx.msk [tilespmem:v14+s11+$0x0], $0xffff;
	v12 =	vadd.f32 v15, v12  }
0x81: {  	_ =	sdelay $0x2  }
0x82: {  	v4 =	vtrunc.f32 v4;
	v7 =	vadd.f32 v7, v12  }
0x83: {  	v6 =	vld.idx.msk [tilespmem:v6+s11+$0x0], $0xffff;
	v4 =	vcvt.f32.s32 v4  }
0x84: {  	v3 =	vtrunc.f32 v3;
	v5 =	vadd.f32 v5, v7  }
0x85: {  	v62 =	vld.idx.msk [tilespmem:v10+s11+$0x0], $0xffff;
	v3 =	vcvt.f32.s32 v3  }
0x86: {  	v8 =	vtrunc.f32 v8;
	v5 =	vadd.f32 v11, v5  }
0x87: {  	v9 =	vld.idx.msk [tilespmem:v9+s11+$0x0], $0xffff;
	v8 =	vcvt.f32.s32 v8  }
0x88: {  	v5 =	vadd.f32 v6, v5  }
0x89: {  	v4 =	vld.idx.msk [tilespmem:v4+s11+$0x0], $0xffff  }
0x8a: {  	v5 =	vadd.f32 v62, v5  }
0x8b: {  	v3 =	vld.idx.msk [tilespmem:v3+s11+$0x0], $0xffff  }
0x8c: {  	v5 =	vadd.f32 v9, v5  }
0x8d: {  	v63 =	vld.idx.msk [tilespmem:v8+s11+$0x0], $0xffff  }
0x8e: {  	v4 =	vadd.f32 v4, v5;
	_ =	sdelay $0x1  }
0x8f: {  	v3 =	vadd.f32 v3, v4;
	_ =	sdelay $0x1  }
0x90: {  	v3 =	vadd.f32 v63, v3;
	_ =	sdelay $0x1  }
0x91: {  	(xrf2) =	vadd.scan.msk.f32 $0xffff, v3;
	_ =	sdelay $0x9  }
0x92: {  	v3, _, _ =	vpop (xrf2)  }
0x93: {  	s20 =	sadd.s32 $0x1, s20;
	v3 =	vbroadcast v3, $0xF  }
0x94: {  	p0 =	sne.s32 s20, s8  }
.Ltmp4:
0x95: {  	[tilespmem:$0xE088] =	vst v3;
	(pc) =	sbr.rel @p0 .LBB2_1-.Ltmp4, $4  }
0x96: {  	[hbm4b:s7+s3] =	stream.linear.scatter [tilespmem:s19], [sflag:$0x4], $0x10, $0x38;
	[tilespmem:$0x10098] =	vst v63  }
0x97: {  	_ =	swait.ge [sflag:s13], $0x10  }
0x98: {  	[sflag:s13] =	ssyncset.done $0x0  }
0x99: {  	[sflag:s13] =	ssyncadd.s32 $0xFFFFFFF0  }
0x9a: {  	_ =	sfence.sel $0x180000  }
0x9b: {  	[bflag:$0x0] =	sbarrier.arrive $0xFFFF  }
0x9c: {  	p0 =	sne.s32 s1, $0x0;
	_ =	strace $0x90000047  }
0x9d: {  	s0 =	sadd.s32 @!p0 $0x100000, s0;
	[bflag:$0x2] =	sbarrier.arrive $0xFFFF  }
0x9e: {  	[sflag:s0] =	ssyncadd.tile.s32 @!p0 $0x1;
	_ =	shalt  }
.Lfunc_end2:
_tile_overlayer_lowered:
.L_overlay_start_2:
0x9f: {  	(tag) =	ssettag $0x2  }
0xa0: {  	s0 =	rddreg [dreg:$0x0];
	s2 =	stileid.u32  }
0xa1: {  	s1 =	rddreg [dreg:$0x1];
	p0 =	sne.s32 s2, $0x0  }
0xa2: {  	s3 =	rddreg [dreg:$0x2];
	[bflag:$0x3] =	sbarrier.arrive $0xFFFF;
	s2 =	simm.s32 @!p0 $0x1C04  }
0xa3: {  	[timem:s3], [sflag:s2] =	dma.local @!p0 [hbm:s0], s1  }
0xa4: {  	s0 =	simm.s32 @!p0 $0x4  }
0xa5: {  	_ =	swait.ge @!p0 [sflag:s0], s1  }
0xa6: {  	s1 =	ssub.s32 @!p0 $0x0, s1;
	[sflag:s0] =	ssyncset.done @!p0 $0x0  }
0xa7: {  	[sflag:s0] =	ssyncadd.s32 @!p0 s1  }
0xa8: {  	[bflag:$0x3] =	sbarrier.arrive $0xFFFF  }
0xa9: {  	_ =	shalt  }

</sc_bundles>
